<compile_context>
chip_gen: v7x
topology: tpu7x:2x2x1
jax: 0.10.2.dev20260603
libtpu: 0.0.44.dev20260713+nightly
codegen_flags: <defaults>
</compile_context>

<pallas_src>
import functools

import jax
import jax.numpy as jnp
from jax import lax
from jax.experimental import pallas as pl
from jax.experimental.pallas import tpu as pltpu
from jax.experimental.pallas import tpu_sc as plsc

_NC = 2
_NS = 16
_NW = _NC * _NS

_CHUNK = 128
_PAD = 128
_TCOLS = 16384


def _transpose_body(dim, in_ref, out_ref):
    x = in_ref[...]
    y = x.T
    out_ref[:, :dim] = y
    out_ref[:, dim:] = jnp.zeros_like(out_ref[:, dim:])


def _tc_transpose(table_t, vocab_pad):
    dim, vocab = table_t.shape
    grid = (vocab_pad // _TCOLS,)
    return pl.pallas_call(
        functools.partial(_transpose_body, dim),
        grid=grid,
        in_specs=[pl.BlockSpec((dim, _TCOLS), lambda i: (0, i))],
        out_specs=pl.BlockSpec((_TCOLS, _PAD), lambda i: (i, 0)),
        out_shape=jax.ShapeDtypeStruct((vocab_pad, _PAD), jnp.float32),
    )(table_t)


def _gather_body(n_tok, n_chunks, sen_hbm, table_hbm, out_hbm,
                 idx_v, rows0, rows1, sem0, sem1):
    wid = lax.axis_index("s") * _NC + lax.axis_index("c")
    base = wid * n_tok

    pltpu.sync_copy(sen_hbm.at[pl.ds(base, n_tok)], idx_v)

    pltpu.async_copy(table_hbm.at[idx_v.at[pl.ds(0, _CHUNK)]], rows0, sem0)
    pltpu.async_copy(table_hbm.at[idx_v.at[pl.ds(_CHUNK, _CHUNK)]], rows1, sem1)

    def body(i, carry):
        for b, (buf, sem) in enumerate(((rows0, sem0), (rows1, sem1))):
            g = 2 * i + b
            pltpu.make_async_copy(
                table_hbm.at[idx_v.at[pl.ds(g * _CHUNK, _CHUNK)]], buf, sem
            ).wait()
            pltpu.sync_copy(buf, out_hbm.at[pl.ds(base + g * _CHUNK, _CHUNK)])

            @pl.when(g + 2 < n_chunks)
            def _():
                pltpu.async_copy(
                    table_hbm.at[idx_v.at[pl.ds((g + 2) * _CHUNK, _CHUNK)]],
                    buf, sem)
        return carry

    lax.fori_loop(0, n_chunks // 2, body, 0)


@functools.partial(jax.jit, static_argnames=("n_tok_total",))
def _sc_gather(sen_flat, table_pad, n_tok_total):
    n_tok = n_tok_total // _NW
    n_chunks = n_tok // _CHUNK
    mesh = plsc.VectorSubcoreMesh(core_axis_name="c", subcore_axis_name="s")
    return pl.kernel(
        functools.partial(_gather_body, n_tok, n_chunks),
        out_type=jax.ShapeDtypeStruct((n_tok_total, _PAD), jnp.float32),
        mesh=mesh,
        scratch_types=[
            pltpu.VMEM((n_tok,), jnp.int32),
            pltpu.VMEM((_CHUNK, _PAD), jnp.float32),
            pltpu.VMEM((_CHUNK, _PAD), jnp.float32),
            pltpu.SemaphoreType.DMA,
            pltpu.SemaphoreType.DMA,
        ],
    )(sen_flat, table_pad)


_LBLK = 8


def _ln_body(dim, b, rows_ref, pos_ref, gamma_ref, beta_ref, *rest):
    out_ref = rest[-1]
    for j in range(_LBLK):
        x = rows_ref[pl.ds(j * b, b), :] + pos_ref[j:j + 1, :]
        s = jnp.sum(x, axis=-1, keepdims=True)
        sq = jnp.sum(x * x, axis=-1, keepdims=True)
        mean = s / dim
        var = sq / dim - mean * mean
        y = ((x - mean) * lax.rsqrt(var + 1e-6)) * gamma_ref[...] + beta_ref[...]
        yt = y.T
        out_ref[:, j, :] = yt[:dim, :]


def _tc_layernorm(gathered, pos_pad, gamma_pad, beta_pad, out_acc,
                  b, l, l_cnt, l_off):
    dim = 100
    grid = (l_cnt // _LBLK,)
    blk0 = l_off // _LBLK
    in_specs = [
        pl.BlockSpec((_LBLK * b, _PAD), lambda i: (i, 0)),
        pl.BlockSpec((_LBLK, _PAD), lambda i: (i + blk0, 0)),
        pl.BlockSpec((1, _PAD), lambda i: (0, 0)),
        pl.BlockSpec((1, _PAD), lambda i: (0, 0)),
    ]
    args = [gathered, pos_pad, gamma_pad, beta_pad]
    aliases = {}
    if out_acc is not None:
        in_specs.append(pl.BlockSpec((dim, _LBLK, b), lambda i: (0, i + blk0, 0)))
        args.append(out_acc)
        aliases = {4: 0}
    return pl.pallas_call(
        functools.partial(_ln_body, dim, b),
        grid=grid,
        in_specs=in_specs,
        out_specs=pl.BlockSpec((dim, _LBLK, b), lambda i: (0, i + blk0, 0)),
        out_shape=jax.ShapeDtypeStruct((dim, l, b), jnp.float32),
        input_output_aliases=aliases,
    )(*args)


def kernel(sen, table, pos_emb, gamma, beta):
    b, l = sen.shape
    vocab, dim = table.shape
    vocab_pad = ((vocab + _TCOLS - 1) // _TCOLS) * _TCOLS
    sen_flat = sen.T.reshape(-1).astype(jnp.int32)
    table_pad = _tc_transpose(table.T, vocab_pad)
    pad = ((0, 0), (0, _PAD - dim))
    pos_pad = jnp.pad(pos_emb[:l], pad)
    gamma_pad = jnp.pad(gamma.reshape(1, dim), pad)
    beta_pad = jnp.pad(beta.reshape(1, dim), pad)

    splits = (96, 104) if l == 200 else (l,)
    gs = []
    off = 0
    for cnt in splits:
        gs.append(_sc_gather(sen_flat[off * b:(off + cnt) * b], table_pad,
                             cnt * b))
        off += cnt
    out_acc = None
    off = 0
    for cnt, g in zip(splits, gs):
        out_acc = _tc_layernorm(g, pos_pad, gamma_pad, beta_pad, out_acc,
                                b, l, cnt, off)
        off += cnt
    return out_acc.transpose(2, 1, 0)

# --- scband reference (transcript-rebuilt; emitter-appended) ---
"""Pipeline reference for scband-embeddings-12034498363512 (READ-ONLY COPY).

The authoritative reference and input builder live on the scoring server;
editing this copy changes nothing except your own understanding.
"""

import jax, jax.numpy as jnp
import numpy as np

VOCAB = 289689
DIM = 100
MAXWORD = 512
B = 1024
L = 200


def setup_inputs(seed: int = 0) -> dict:
    key = jax.random.key(seed)
    k1, k2, k3 = jax.random.split(key, 3)
    sen = jax.random.randint(k1, (B, L), 0, VOCAB)
    table = jax.random.normal(k2, (VOCAB, DIM), dtype=jnp.float32) * 0.02
    pos_emb = jax.random.normal(k3, (MAXWORD, DIM), dtype=jnp.float32) * 0.02
    gamma = jnp.ones((DIM,), dtype=jnp.float32)
    beta = jnp.zeros((DIM,), dtype=jnp.float32)
    return {"sen": sen, "table": table, "pos_emb": pos_emb, "gamma": gamma, "beta": beta}


def reference(sen, table, pos_emb, gamma, beta):
    # word embedding lookup (SparseCore gather)
    sen_embed = jnp.take(table, sen, axis=0)  # [B, L, DIM]
    seq_length = sen.shape[1]
    x = sen_embed + pos_emb[:seq_length]  # broadcast add of position embeddings
    # LayerNormalization over last axis, epsilon=1e-6
    mean = jnp.mean(x, axis=-1, keepdims=True)
    var = jnp.var(x, axis=-1, keepdims=True)
    x_norm = (x - mean) / jnp.sqrt(var + 1e-6)
    out = x_norm * gamma + beta
    # Dropout is identity at inference
    return out

if __name__ == "__main__":
    import jax
    _d = setup_inputs()
    print(jax.jit(kernel)(*tuple(_d.values())))

</pallas_src>

<mosaic_0001>
#map = affine_map<(d0, d1) -> (0)>
#map1 = affine_map<(d0, d1) -> (0, 0)>
module attributes {stable_mosaic.version = 14 : i64} {
  func.func @_gather_body(%arg0: i32, %arg1: i32, %arg2: memref<98304xi32, #tpu.memory_space<hbm>>, %arg3: memref<294912x128xf32, #tpu.memory_space<hbm>>, %arg4: memref<98304x128xf32, #tpu.memory_space<hbm>>, %arg5: memref<3072xi32, #tpu.memory_space<vmem>>, %arg6: memref<128x128xf32, #tpu.memory_space<vmem>>, %arg7: memref<128x128xf32, #tpu.memory_space<vmem>>, %arg8: memref<!tpu.dma_semaphore, #tpu.memory_space<semaphore_mem>>, %arg9: memref<!tpu.dma_semaphore, #tpu.memory_space<semaphore_mem>>) attributes {dimension_semantics = [#tpu.dimension_semantics<core_parallel>, #tpu.dimension_semantics<subcore_parallel>], iteration_bounds = array<i64: 2, 16>, scalar_prefetch = 0 : i64, scratch_operands = 5 : i64, tpu.core_type = #tpu.core_type<sc_vector_subcore>, window_params = [{transform_indices = #map}, {transform_indices = #map1}, {transform_indices = #map1}]} {
    %mul3A = arith.constant 2 : i32
    %mul3A_0 = arith.muli %arg1, %mul3A : i32
    %add3A = arith.addi %mul3A_0, %arg0 : i32
    %mul3A_1 = arith.constant 3072 : i32
    %mul3A_2 = arith.muli %add3A, %mul3A_1 : i32
    "tpu.region"() ({
      %run_scoped3A = tpu.sem_alloc : memref<!tpu.dma_semaphore, #tpu.memory_space<semaphore_mem>>
      %dma_start3A_17 = tpu.memref_slice %arg2[%mul3A_2] : memref<98304xi32, #tpu.memory_space<hbm>> -> memref<3072xi32, #tpu.memory_space<hbm>>
      %dma_start3A_18 = tpu.memref_slice %arg2[%mul3A_2] : memref<98304xi32, #tpu.memory_space<hbm>> -> memref<3072xi32, #tpu.memory_space<hbm>>
      tpu.enqueue_dma source(%dma_start3A_18 : memref<3072xi32, #tpu.memory_space<hbm>>) target(%arg5 : memref<3072xi32, #tpu.memory_space<vmem>>) target_semaphore(%run_scoped3A : memref<!tpu.dma_semaphore, #tpu.memory_space<semaphore_mem>>)
      %dma_wait3A = tpu.memref_slice %arg2[%mul3A_2] : memref<98304xi32, #tpu.memory_space<hbm>> -> memref<3072xi32, #tpu.memory_space<hbm>>
      %dma_wait3A_19 = tpu.memref_slice %arg2[%mul3A_2] : memref<98304xi32, #tpu.memory_space<hbm>> -> memref<3072xi32, #tpu.memory_space<hbm>>
      tpu.wait_dma2 semaphore(%run_scoped3A : memref<!tpu.dma_semaphore, #tpu.memory_space<semaphore_mem>>) src(%dma_wait3A_19 : memref<3072xi32, #tpu.memory_space<hbm>>) dst(%arg5 : memref<3072xi32, #tpu.memory_space<vmem>>)
      tpu.yield
    }) : () -> ()
    %dma_start3A = arith.constant 0 : i32
    %dma_start3A_3 = tpu.memref_slice %arg5[%dma_start3A] : memref<3072xi32, #tpu.memory_space<vmem>> -> memref<128xi32, #tpu.memory_space<vmem>>
    %dma_start3A_4 = arith.constant 0 : i32
    %dma_start3A_5 = arith.constant 0 : i32
    %dma_start3A_6 = tpu.memref_slice %arg3[%dma_start3A_4, %dma_start3A_5] : memref<294912x128xf32, #tpu.memory_space<hbm>> -> memref<294912x128xf32, #tpu.memory_space<hbm>>
    tpu.enqueue_indirect_dma source(%dma_start3A_6 : memref<294912x128xf32, #tpu.memory_space<hbm>>) target(%arg6 : memref<128x128xf32, #tpu.memory_space<vmem>>) offsets(%dma_start3A_3 : memref<128xi32, #tpu.memory_space<vmem>>) semaphore(%arg8 : memref<!tpu.dma_semaphore, #tpu.memory_space<semaphore_mem>>)
    %dma_start3A_7 = arith.constant 128 : i32
    %dma_start3A_8 = tpu.memref_slice %arg5[%dma_start3A_7] : memref<3072xi32, #tpu.memory_space<vmem>> -> memref<128xi32, #tpu.memory_space<vmem>>
    %dma_start3A_9 = arith.constant 0 : i32
    %dma_start3A_10 = arith.constant 0 : i32
    %dma_start3A_11 = tpu.memref_slice %arg3[%dma_start3A_9, %dma_start3A_10] : memref<294912x128xf32, #tpu.memory_space<hbm>> -> memref<294912x128xf32, #tpu.memory_space<hbm>>
    tpu.enqueue_indirect_dma source(%dma_start3A_11 : memref<294912x128xf32, #tpu.memory_space<hbm>>) target(%arg7 : memref<128x128xf32, #tpu.memory_space<vmem>>) offsets(%dma_start3A_8 : memref<128xi32, #tpu.memory_space<vmem>>) semaphore(%arg9 : memref<!tpu.dma_semaphore, #tpu.memory_space<semaphore_mem>>)
    %scan3A = arith.constant 0 : i32
    %scan3A_12 = arith.constant 0 : i32
    %scan3A_13 = arith.constant 12 : i32
    %scan3A_14 = arith.addi %scan3A_12, %scan3A_13 : i32
    %scan3A_15 = arith.constant 1 : i32
    scf.for %scan3A_17 = %scan3A_12 to %scan3A_14 step %scan3A_15  : i32 {
      %mul3A_18 = arith.constant 2 : i32
      %mul3A_19 = arith.muli %mul3A_18, %scan3A_17 : i32
      %add3A_20 = arith.constant 0 : i32
      %add3A_21 = arith.addi %mul3A_19, %add3A_20 : i32
      %mul3A_22 = arith.constant 128 : i32
      %mul3A_23 = arith.muli %add3A_21, %mul3A_22 : i32
      %dma_wait3A = tpu.memref_slice %arg5[%mul3A_23] : memref<3072xi32, #tpu.memory_space<vmem>> -> memref<128xi32, #tpu.memory_space<vmem>>
      %dma_wait3A_24 = arith.constant 0 : i32
      %dma_wait3A_25 = arith.constant 0 : i32
      %dma_wait3A_26 = tpu.memref_slice %arg3[%dma_wait3A_24, %dma_wait3A_25] : memref<294912x128xf32, #tpu.memory_space<hbm>> -> memref<294912x128xf32, #tpu.memory_space<hbm>>
      tpu.wait_indirect_dma semaphore(%arg8 : memref<!tpu.dma_semaphore, #tpu.memory_space<semaphore_mem>>) src(%dma_wait3A_26 : memref<294912x128xf32, #tpu.memory_space<hbm>>) dst(%arg6 : memref<128x128xf32, #tpu.memory_space<vmem>>)
      %mul3A_27 = arith.constant 128 : i32
      %mul3A_28 = arith.muli %add3A_21, %mul3A_27 : i32
      %add3A_29 = arith.addi %mul3A_2, %mul3A_28 : i32
      "tpu.region"() ({
        %run_scoped3A = tpu.sem_alloc : memref<!tpu.dma_semaphore, #tpu.memory_space<semaphore_mem>>
        %dma_start3A_54 = arith.constant 0 : i32
        %dma_start3A_55 = tpu.memref_slice %arg4[%add3A_29, %dma_start3A_54] : memref<98304x128xf32, #tpu.memory_space<hbm>> -> memref<128x128xf32, #tpu.memory_space<hbm>>
        %dma_start3A_56 = arith.constant 0 : i32
        %dma_start3A_57 = tpu.memref_slice %arg4[%add3A_29, %dma_start3A_56] : memref<98304x128xf32, #tpu.memory_space<hbm>> -> memref<128x128xf32, #tpu.memory_space<hbm>>
        tpu.enqueue_dma source(%arg6 : memref<128x128xf32, #tpu.memory_space<vmem>>) target(%dma_start3A_57 : memref<128x128xf32, #tpu.memory_space<hbm>>) target_semaphore(%run_scoped3A : memref<!tpu.dma_semaphore, #tpu.memory_space<semaphore_mem>>)
        %dma_wait3A_58 = arith.constant 0 : i32
        %dma_wait3A_59 = tpu.memref_slice %arg4[%add3A_29, %dma_wait3A_58] : memref<98304x128xf32, #tpu.memory_space<hbm>> -> memref<128x128xf32, #tpu.memory_space<hbm>>
        %dma_wait3A_60 = arith.constant 0 : i32
        %dma_wait3A_61 = tpu.memref_slice %arg4[%add3A_29, %dma_wait3A_60] : memref<98304x128xf32, #tpu.memory_space<hbm>> -> memref<128x128xf32, #tpu.memory_space<hbm>>
        tpu.wait_dma2 semaphore(%run_scoped3A : memref<!tpu.dma_semaphore, #tpu.memory_space<semaphore_mem>>) src(%arg6 : memref<128x128xf32, #tpu.memory_space<vmem>>) dst(%dma_wait3A_61 : memref<128x128xf32, #tpu.memory_space<hbm>>)
        tpu.yield
      }) : () -> ()
      %add3A_30 = arith.constant 2 : i32
      %add3A_31 = arith.addi %add3A_21, %add3A_30 : i32
      %lt3A = arith.constant 24 : i32
      %lt3A_32 = arith.cmpi slt, %add3A_31, %lt3A : i32
      %convert_element_type3A = arith.extui %lt3A_32 : i1 to i32
      %cond3A = arith.constant 0 : i32
      %cond3A_33 = arith.cmpi ne, %convert_element_type3A, %cond3A : i32
      scf.if %cond3A_33 {
        %add3A_54 = arith.constant 2 : i32
        %add3A_55 = arith.addi %add3A_21, %add3A_54 : i32
        %mul3A_56 = arith.constant 128 : i32
        %mul3A_57 = arith.muli %add3A_55, %mul3A_56 : i32
        %dma_start3A_58 = tpu.memref_slice %arg5[%mul3A_57] : memref<3072xi32, #tpu.memory_space<vmem>> -> memref<128xi32, #tpu.memory_space<vmem>>
        %dma_start3A_59 = arith.constant 0 : i32
        %dma_start3A_60 = arith.constant 0 : i32
        %dma_start3A_61 = tpu.memref_slice %arg3[%dma_start3A_59, %dma_start3A_60] : memref<294912x128xf32, #tpu.memory_space<hbm>> -> memref<294912x128xf32, #tpu.memory_space<hbm>>
        tpu.enqueue_indirect_dma source(%dma_start3A_61 : memref<294912x128xf32, #tpu.memory_space<hbm>>) target(%arg6 : memref<128x128xf32, #tpu.memory_space<vmem>>) offsets(%dma_start3A_58 : memref<128xi32, #tpu.memory_space<vmem>>) semaphore(%arg8 : memref<!tpu.dma_semaphore, #tpu.memory_space<semaphore_mem>>)
      } else {
      }
      %mul3A_34 = arith.constant 2 : i32
      %mul3A_35 = arith.muli %mul3A_34, %scan3A_17 : i32
      %add3A_36 = arith.constant 1 : i32
      %add3A_37 = arith.addi %mul3A_35, %add3A_36 : i32
      %mul3A_38 = arith.constant 128 : i32
      %mul3A_39 = arith.muli %add3A_37, %mul3A_38 : i32
      %dma_wait3A_40 = tpu.memref_slice %arg5[%mul3A_39] : memref<3072xi32, #tpu.memory_space<vmem>> -> memref<128xi32, #tpu.memory_space<vmem>>
      %dma_wait3A_41 = arith.constant 0 : i32
      %dma_wait3A_42 = arith.constant 0 : i32
      %dma_wait3A_43 = tpu.memref_slice %arg3[%dma_wait3A_41, %dma_wait3A_42] : memref<294912x128xf32, #tpu.memory_space<hbm>> -> memref<294912x128xf32, #tpu.memory_space<hbm>>
      tpu.wait_indirect_dma semaphore(%arg9 : memref<!tpu.dma_semaphore, #tpu.memory_space<semaphore_mem>>) src(%dma_wait3A_43 : memref<294912x128xf32, #tpu.memory_space<hbm>>) dst(%arg7 : memref<128x128xf32, #tpu.memory_space<vmem>>)
      %mul3A_44 = arith.constant 128 : i32
      %mul3A_45 = arith.muli %add3A_37, %mul3A_44 : i32
      %add3A_46 = arith.addi %mul3A_2, %mul3A_45 : i32
      "tpu.region"() ({
        %run_scoped3A = tpu.sem_alloc : memref<!tpu.dma_semaphore, #tpu.memory_space<semaphore_mem>>
        %dma_start3A_54 = arith.constant 0 : i32
        %dma_start3A_55 = tpu.memref_slice %arg4[%add3A_46, %dma_start3A_54] : memref<98304x128xf32, #tpu.memory_space<hbm>> -> memref<128x128xf32, #tpu.memory_space<hbm>>
        %dma_start3A_56 = arith.constant 0 : i32
        %dma_start3A_57 = tpu.memref_slice %arg4[%add3A_46, %dma_start3A_56] : memref<98304x128xf32, #tpu.memory_space<hbm>> -> memref<128x128xf32, #tpu.memory_space<hbm>>
        tpu.enqueue_dma source(%arg7 : memref<128x128xf32, #tpu.memory_space<vmem>>) target(%dma_start3A_57 : memref<128x128xf32, #tpu.memory_space<hbm>>) target_semaphore(%run_scoped3A : memref<!tpu.dma_semaphore, #tpu.memory_space<semaphore_mem>>)
        %dma_wait3A_58 = arith.constant 0 : i32
        %dma_wait3A_59 = tpu.memref_slice %arg4[%add3A_46, %dma_wait3A_58] : memref<98304x128xf32, #tpu.memory_space<hbm>> -> memref<128x128xf32, #tpu.memory_space<hbm>>
        %dma_wait3A_60 = arith.constant 0 : i32
        %dma_wait3A_61 = tpu.memref_slice %arg4[%add3A_46, %dma_wait3A_60] : memref<98304x128xf32, #tpu.memory_space<hbm>> -> memref<128x128xf32, #tpu.memory_space<hbm>>
        tpu.wait_dma2 semaphore(%run_scoped3A : memref<!tpu.dma_semaphore, #tpu.memory_space<semaphore_mem>>) src(%arg7 : memref<128x128xf32, #tpu.memory_space<vmem>>) dst(%dma_wait3A_61 : memref<128x128xf32, #tpu.memory_space<hbm>>)
        tpu.yield
      }) : () -> ()
      %add3A_47 = arith.constant 2 : i32
      %add3A_48 = arith.addi %add3A_37, %add3A_47 : i32
      %lt3A_49 = arith.constant 24 : i32
      %lt3A_50 = arith.cmpi slt, %add3A_48, %lt3A_49 : i32
      %convert_element_type3A_51 = arith.extui %lt3A_50 : i1 to i32
      %cond3A_52 = arith.constant 0 : i32
      %cond3A_53 = arith.cmpi ne, %convert_element_type3A_51, %cond3A_52 : i32
      scf.if %cond3A_53 {
        %add3A_54 = arith.constant 2 : i32
        %add3A_55 = arith.addi %add3A_37, %add3A_54 : i32
        %mul3A_56 = arith.constant 128 : i32
        %mul3A_57 = arith.muli %add3A_55, %mul3A_56 : i32
        %dma_start3A_58 = tpu.memref_slice %arg5[%mul3A_57] : memref<3072xi32, #tpu.memory_space<vmem>> -> memref<128xi32, #tpu.memory_space<vmem>>
        %dma_start3A_59 = arith.constant 0 : i32
        %dma_start3A_60 = arith.constant 0 : i32
        %dma_start3A_61 = tpu.memref_slice %arg3[%dma_start3A_59, %dma_start3A_60] : memref<294912x128xf32, #tpu.memory_space<hbm>> -> memref<294912x128xf32, #tpu.memory_space<hbm>>
        tpu.enqueue_indirect_dma source(%dma_start3A_61 : memref<294912x128xf32, #tpu.memory_space<hbm>>) target(%arg7 : memref<128x128xf32, #tpu.memory_space<vmem>>) offsets(%dma_start3A_58 : memref<128xi32, #tpu.memory_space<vmem>>) semaphore(%arg9 : memref<!tpu.dma_semaphore, #tpu.memory_space<semaphore_mem>>)
      } else {
      }
    }
    %scan3A_16 = arith.constant 12 : i32
    return
  }
}

</mosaic_0001>

<sc_bundles>
// kernel: _sc_gather.3.cloned.1.call-start
scs
__scs_entry_jumppad:
0x0: {  	(pc) =	sbr.rel $0x88, $3  }
0x1: {  	(tag) =	ssettag $0x0;
	lr =	simm.s32 $0x1  }
0x2: {  	[smem:$0x3F9F] =	sst lr;
	_ =	strace $0xD0000000  }
0x3: {  	_ = 	snop  }
0x4: {  	_ = 	snop  }
0x5: {  	_ = 	snop  }
0x6: {  	_ = 	snop  }
0x7: {  	_ = 	snop  }
__scs_overlays_trampoline_lowered:
0x8: {  	[smem:$0x3FAE] =	sst s0  }
0x9: {  	[smem:$0x3FAF] =	sst s1  }
0xa: {  	[smem:$0x3FB0] =	sst s2  }
0xb: {  	[smem:$0x3FB1] =	sst s3  }
0xc: {  	[smem:$0x3FB2] =	sst s4  }
0xd: {  	[smem:$0x3FB3] =	sst s5  }
0xe: {  	[smem:$0x3FB4] =	sst s6  }
0xf: {  	[smem:$0x3FB5] =	sst s7  }
0x10: {  	[smem:$0x3FB6] =	sst s8  }
0x11: {  	[smem:$0x3FB7] =	sst s9;
	s0 =	simm.s32 @!p0 $0x0  }
0x12: {  	s1 =	sld [smem:$0x3F9D];
	s0 =	simm.s32 @p0 $0x1  }
0x13: {  	[smem:$0x3FB8] =	sst s0;
	s0 =	simm.s32 @!p1 $0x0  }
0x14: {  	s2 =	sld [smem:$0x3F9C];
	s0 =	simm.s32 @p1 $0x1  }
0x15: {  	[smem:$0x3FB9] =	sst s0;
	s0 =	simm.s32 @!p2 $0x0  }
0x16: {  	s3 =	sld [smem:$0x3FDB];
	s0 =	simm.s32 @p2 $0x1  }
0x17: {  	s4 =	simm.s32 $0x1BF5;
	[smem:$0x3FBB] =	sst s0  }
0x18: {  	s0 =	sld [smem:$0x3F9E];
	_ =	swait.ge [sflag:s4], $0x0  }
0x19: {  	s7 =	sld [smem:$0x3F9F]  }
0x1a: {  	s8 =	sadd.s32 $0xFFFFE003, lr  }
0x1b: {  	s9 =	sadd.s32 $0xFFFFFEF7, lr;
	s5 =	simm.s32 $0xFFFFFFFF;
	p2 =	slt.u32 s8, $0xFFFFF086  }
0x1c: {  	p1 =	slt.u32 s9, $0xF7A;
	s5 =	simm.s32 @!p2 $0x0  }
0x1d: {  	s5 =	simm.s32 @p1 $0x1;
	p0 =	seq.s32 s7, s2  }
0x1e: {  	s7 =	smul.u32 @!p0 $0xF7A, s2;
	p2 =	seq.s32 @!p0 s5, $0x0  }
0x1f: {  	s9 =	smul.u32 $0xF7A, s1;
	s8 =	simm.s32 @!p0 $0x1BF5;
	p2 =	por !p2, p0  }
0x20: {  	[sflag:s8] =	ssyncset.s32 @!p0 $0xFFFFF086;
	s6 =	sadd.s32 @!p0 s3, s7;
	s7 =	simm.s32 @!p0 $0x108  }
0x21: {  	s3 =	sadd.s32 s3, s9;
	s6 =	sadd.s32 @!p0 $0x88, s6;
	s7 =	simm.s32 @p2 $0x1082  }
0x22: {  	[simem:s7], [sflag:s8] =	dma.local @!p0 [hbm:s6], $0xF7A  }
0x23: {  	s9 =	sor.u32 $0xD0000000, s2;
	s6 =	simm.s32 $0x108;
	_ =	swait.ge @!p0 [sflag:s8], $0x0  }
0x24: {  	s3 =	sadd.s32 $0x88, s3;
	s6 =	simm.s32 @!p1 $0x1082;
	[sflag:s4] =	ssyncset.s32 $0xFFFFF086  }
0x25: {  	[simem:s6], [sflag:s4] =	dma.local [hbm:s3], $0xF7A  }
0x26: {  	[smem:$0x3F9F] =	sst s1;
	(tag) =	ssettag s2;
	_ =	strace s9  }
0x27: {  	s1 =	sld [smem:$0x3FAF]  }
0x28: {  	s2 =	sld [smem:$0x3FB0]  }
0x29: {  	s4 =	sld [smem:$0x3FB2]  }
0x2a: {  	p0 =	seq.s32 s5, $0x0;
	s5 =	sld [smem:$0x3FB3]  }
0x2b: {  	s6 =	sld [smem:$0x3FB4]  }
0x2c: {  	s7 =	sld [smem:$0x3FB5]  }
0x2d: {  	s3 =	simm.s32 $0x108;
	s8 =	sld [smem:$0x3FB6]  }
0x2e: {  	s3 =	simm.s32 @!p0 $0x1082;
	s9 =	sld [smem:$0x3FB7]  }
0x2f: {  	lr =	sadd.s32 s0, s3;
	s0 =	sld [smem:$0x3FAE]  }
0x30: {  	s3 =	sld [smem:$0x3FB1]  }
0x31: {  	[smem:$0x3FBA] =	sst s10  }
0x32: {  	s10 =	sld [smem:$0x3FB8];
	_ =	sdelay $0x3  }
0x33: {  	p0 =	seq.s32 s10, $0x1;
	s10 =	sld [smem:$0x3FBA];
	_ =	sdelay $0x3  }
0x34: {  	[smem:$0x3FBA] =	sst s10  }
0x35: {  	s10 =	sld [smem:$0x3FB9];
	_ =	sdelay $0x3  }
0x36: {  	p1 =	seq.s32 s10, $0x1;
	s10 =	sld [smem:$0x3FBA];
	_ =	sdelay $0x3  }
0x37: {  	[smem:$0x3FBA] =	sst s10  }
0x38: {  	s10 =	sld [smem:$0x3FBB]  }
0x39: {  	_ = 	snop;
	(pc) =	sbr.ind lr, $3  }
0x3a: {  	_ = 	snop  }
0x3b: {  	_ = 	snop  }
0x3c: {  	p2 =	seq.s32 s10, $0x1;
	s10 =	sld [smem:$0x3FBA]  }
0x3d: {  	_ =	shalt  }
0x3e: {  	_ =	shalt  }
0x3f: {  	_ =	shalt  }
0x40: {  	_ =	shalt  }
0x41: {  	_ =	shalt  }
0x42: {  	_ =	shalt  }
0x43: {  	_ =	shalt  }
0x44: {  	_ =	shalt  }
0x45: {  	_ =	shalt  }
0x46: {  	_ =	shalt  }
0x47: {  	_ =	shalt  }
0x48: {  	_ =	shalt  }
0x49: {  	_ =	shalt  }
0x4a: {  	_ =	shalt  }
0x4b: {  	_ =	shalt  }
0x4c: {  	_ =	shalt  }
0x4d: {  	_ =	shalt  }
0x4e: {  	_ =	shalt  }
0x4f: {  	_ =	shalt  }
0x50: {  	_ =	shalt  }
0x51: {  	_ =	shalt  }
0x52: {  	_ =	shalt  }
0x53: {  	_ =	shalt  }
0x54: {  	_ =	shalt  }
0x55: {  	_ =	shalt  }
0x56: {  	_ =	shalt  }
0x57: {  	_ =	shalt  }
0x58: {  	_ =	shalt  }
0x59: {  	_ =	shalt  }
0x5a: {  	_ =	shalt  }
0x5b: {  	_ =	shalt  }
0x5c: {  	_ =	shalt  }
0x5d: {  	_ =	shalt  }
0x5e: {  	_ =	shalt  }
0x5f: {  	_ =	shalt  }
0x60: {  	_ =	shalt  }
0x61: {  	_ =	shalt  }
0x62: {  	_ =	shalt  }
0x63: {  	_ =	shalt  }
0x64: {  	_ =	shalt  }
0x65: {  	_ =	shalt  }
0x66: {  	_ =	shalt  }
0x67: {  	_ =	shalt  }
0x68: {  	_ =	shalt  }
0x69: {  	_ =	shalt  }
0x6a: {  	_ =	shalt  }
0x6b: {  	_ =	shalt  }
0x6c: {  	_ =	shalt  }
0x6d: {  	_ =	shalt  }
0x6e: {  	_ =	shalt  }
0x6f: {  	_ =	shalt  }
0x70: {  	_ =	shalt  }
0x71: {  	_ =	shalt  }
0x72: {  	_ =	shalt  }
0x73: {  	_ =	shalt  }
0x74: {  	_ =	shalt  }
0x75: {  	_ =	shalt  }
0x76: {  	_ =	shalt  }
0x77: {  	_ =	shalt  }
0x78: {  	_ =	shalt  }
0x79: {  	_ =	shalt  }
0x7a: {  	_ =	shalt  }
0x7b: {  	_ =	shalt  }
0x7c: {  	_ =	shalt  }
0x7d: {  	_ =	shalt  }
0x7e: {  	_ =	shalt  }
0x7f: {  	_ =	shalt  }
0x80: {  	_ =	shalt  }
0x81: {  	_ =	shalt  }
0x82: {  	_ =	shalt  }
0x83: {  	_ =	shalt  }
0x84: {  	_ =	shalt  }
0x85: {  	_ =	shalt  }
0x86: {  	_ =	shalt  }
0x87: {  	_ =	shalt  }
.Lfunc_end0:
.L_simem_size_0:
called_computation_lowered:
.L_overlay_start_0:
0x88: {  	s2 =	sld [smem:$0x3FD9]  }
0x89: {  	s3 =	sld [smem:$0x3FFE];
	_ =	sdelay $0x1  }
0x8a: {  	s1 =	srdreg.scid  }
0x8b: {  	s0 =	sand.u32 $0x1, s1  }
0x8c: {  	s18 =	sshll.u32 s0, $0xA;
	s2 =	sadd.s32 s3, s2  }
0x8d: {  	s2 =	sadd.s32 s2, s18  }
0x8e: {  	[smem:$0x3FC6] =	sst s2  }
0x8f: {  	_ = 	snop  }
0x90: {  	s2 =	sld [smem:$0x3FC9]  }
0x91: {  	s19 =	sld [smem:$0x3FC8]  }
0x92: {  	s4 =	sld [smem:$0x3FD0];
	(tm) =	ssettm $0x1  }
0x93: {  	s5 =	sld [smem:$0x3FFB];
	_ =	sdelay $0x3  }
0x94: {  	_ =	strace s5  }
0x95: {  	s5 =	sld [smem:$0x3FFC];
	_ =	sdelay $0x3  }
0x96: {  	_ =	strace s5  }
0x97: {  	s5 =	sld [smem:$0x3FFD];
	_ =	sdelay $0x3  }
0x98: {  	_ =	strace s5  }
0x99: {  	_ =	strace $0x8FFFFFFF  }
0x9a: {  	s20 =	sld [smem:$0x3FDB];
	_ =	sdelay $0x1  }
0x9b: {  	s6 =	simm.s32 $_scs_section_size  }
0x9c: {  	s7 =	simm.s32 $_size__tile_overlayer_lowered;
	s8 =	simm.s32 $_tile_overlayer_lowered  }
0x9d: {  	s23 =	simm.s32 $0x1BFF;
	s22 =	sshll.u32 s8, $0x1;
	s5 =	sadd.s32 s6, s20  }
0x9e: {  	s9 =	simm.s32 $0x0;
	s21 =	sshll.u32 s7, $0x1;
	s7 =	sadd.s32 s22, s5  }
0x9f: {  	[timem:s9], [sflag:s23] =	dma.local [hbm:s7], s21  }
0xa0: {  	_ =	swait.ge [sflag:s23], s21  }
0xa1: {  	s6 =	ssub.s32 $0x0, s21;
	[sflag:s23] =	ssyncset.done $0x0  }
0xa2: {  	[sflag:s23] =	ssyncadd.s32 s6;
	_ =	sdelay $0x1  }
0xa3: {  	s24 =	simm.s32 $0x1B8B  }
0xa4: {  	_ =	swait.ge [sflag:s24], $0x1  }
0xa5: {  	[sflag:s24] =	ssyncset.done $0x0  }
0xa6: {  	s25 =	simm.s32 $0x1B8E;
	[sflag:s24] =	ssyncadd.s32 $0xFFFFFFFF  }
0xa7: {  	s26 =	simm.s32 $execute0_lowered;
	[smem:$0x3FD2] =	sst s25  }
0xa8: {  	s6 =	sshll.u32 s26, $0x1;
	_ =	strace $0x80000046;
	[dreg:$0x1] =	wrdreg $0xFFFFFFFF  }
0xa9: {  	s28 =	simm.s32 $_size_execute0_lowered;
	s5 =	sadd.s32 s5, s6;
	[dreg:$0x0] =	wrdreg $0x0  }
0xaa: {  	s6 =	sshll.u32 s28, $0x1;
	[dreg:$0x2] =	wrdreg s5  }
0xab: {  	[dreg:$0x3] =	wrdreg s6  }
0xac: {  	[dreg:$0x4] =	wrdreg $0xC0  }
0xad: {  	_ =	task [dreg:s9], $0x5FFFF  }
0xae: {  	[dreg:$0x1] =	wrdreg $0xFFFFFFFF  }
0xaf: {  	[dreg:$0x0] =	wrdreg $0x60  }
0xb0: {  	[dreg:$0x2] =	wrdreg s2  }
0xb1: {  	[dreg:$0x3] =	wrdreg s19  }
0xb2: {  	[dreg:$0x4] =	wrdreg s4  }
0xb3: {  	[dreg:$0x5] =	wrdreg $0x9  }
0xb4: {  	_ =	task.clear_ibuf [dreg:s9], $0x6FFFF;
	_ =	strace $0x90000046  }
0xb5: {  	s29 =	simm.s32 $0x9;
	_ =	strace $0x80000048  }
0xb6: {  	_ =	swait.ge [sflag:s29], $0x1  }
0xb7: {  	[sflag:s29] =	ssyncadd.s32 $0xFFFFFFFF  }
0xb8: {  	_ =	strace $0x90000048  }
0xb9: {  	_ =	sfence  }
0xba: {  	s30 =	sld [smem:$0x0];
	_ =	sdelay $0x2  }
0xbb: {  	s31 =	sshll.u32 s1, $0xD;
	s1 =	sshrl.u32 s1, $0x2  }
0xbc: {  	s3 =	sand.u32 $0x4000, s31;
	s1 =	sadd.s32 s1, s30  }
0xbd: {  	s0 =	sor.u32 s3, s0;
	s1 =	sshll.u32 s1, $0x11  }
0xbe: {  	s0 =	sor.u32 s1, s0  }
0xbf: {  	s0 =	sadd.s32 $0x8F2B, s0  }
0xc0: {  	[sflag:s0] =	ssyncadd.remote.s32 $0x1  }
0xc1: {  	_ =	sfence.sel $0xFFFF  }
0xc2: {  	[dreg:$0x0] =	wrdreg $0xFFFFFFFF;
	(pc) =	sbr.abs _section_cstart, $3  }
0xc3: {  	[dreg:$0x1] =	wrdreg $0xFFFFFFFF  }
0xc4: {  	_ =	task.clear_ibuf [dreg:s9], $0x2FFFF;
	_ =	strace $0x9FFFFFFF  }
0xc5: {  	(tm) =	ssettm $0x7FFFFFFF  }
tec
execute0_lowered:
.L_overlay_start_1:
0x0: {  	(tag) =	ssettag $0x1  }
0x1: {  	s1 =	srdreg.scid;
	s4 =	rddreg [dreg:$0x0]  }
0x2: {  	s0 =	stileid.u32;
	s2 =	rddreg [dreg:$0x1]  }
0x3: {  	s9 =	rddreg [dreg:$0x2];
	s12 =	smul.u32 $0x18000, s0  }
0x4: {  	s3 =	simm.s32 $0x0;
	s7 =	sand.u32 $0x1, s1;
	s24 =	smul.u32 $0xC0000, s0  }
0x5: {  	s14 =	simm.s32 $0x1;
	s22 =	sshll.u32 s0, $0x1;
	s26 =	smul.u32 $0x60000, s7  }
0x6: {  	s15 =	simm.s32 $0x2;
	s5 =	sor.u32 s7, s22;
	s13 =	smul.u32 $0xC000, s7  }
0x7: {  	s16 =	simm.s32 $0x0;
	s1 =	rddreg [dreg:$0x3];
	s6 =	smul.u32 $0x180, s5  }
0x8: {  	[smem:$0x7FF] =	sst s3;
	s10 =	ssub.s32 $0x2, s7;
	s8 =	smul.u32 $0x60000, s5  }
0x9: {  	_ =	strace $0x80000047;
	s11 =	smul.u32 $0xC000, s5;
	s23 =	sshrl.u32 s10, $0x1  }
0xa: {  	s29 =	sadd.s32 s12, s9;
	s12 =	simm.s32 $0xC00;
	s5 =	ssub.s32 s10, s23  }
0xb: {  	s30 =	sadd.s32 s13, s29;
	s10 =	simm.s32 $0x3;
	s13 =	simm.s32 $0x4C00  }
0xc: {  	s8 =	sshrl.u32 s8, $0x3;
	s4 =	sadd.s32 s4, s6;
	s5 =	smax.u32 s5, $0x1  }
0xd: {  	s28 =	sadd.s32 s11, s9;
	s25 =	sadd.s32 s9, s8;
	s8 =	sadd.s32 s26, s24  }
0xe: {  	s11 =	simm.s32 $0x80;
	s7 =	sadd.s32 $0xB800, s28;
	s31 =	sshrl.u32 s8, $0x3  }
0xf: {  	s6 =	sadd.s32 $0xB000, s25;
	s8 =	sadd.s32 $0x800, s30;
	s9 =	sadd.s32 s31, s9  }
.LBB2_1:
0x10: {  	[tilespmem:s3], [sflag:$0x3] =	stream.linear.gather [hbm4b:s4+s3], $0xC00, $0x38;
	[tilespmem:$0x8C00] =	vst v63  }
0x11: {  	_ =	swait.ge [sflag:s10], $0xC00  }
0x12: {  	[sflag:s10] =	ssyncset.done $0x0  }
0x13: {  	[sflag:s10] =	ssyncadd.s32 $0xFFFFF400  }
0x14: {  	[tilespmem:s12], [sflag:$0x1] =	stream.indirect.gather [hbm4b:s2+s11], $0x80, s3, s11, $0xb8;
	[tilespmem:$0x8C00] =	vst v63  }
0x15: {  	_ = 	snop  }
0x16: {  	[tilespmem:s13], [sflag:$0x2] =	stream.indirect.gather [hbm4b:s2+s11], $0x80, s11, s11, $0xb8;
	[tilespmem:$0x8C00] =	vst v63  }
0x17: {  	_ =	swait.ge [sflag:s14], $0x4000  }
0x18: {  	[sflag:s14] =	ssyncset.done $0x0  }
0x19: {  	s17 =	sadd.s32 $0x0, s9;
	[sflag:s14] =	ssyncadd.s32 $0xFFFFC000  }
0x1a: {  	[hbm4b:s17+s3] =	stream.linear.scatter [tilespmem:s12], [sflag:$0x3], $0x4000, $0x38;
	[tilespmem:$0x8C00] =	vst v63  }
0x1b: {  	_ =	swait.ge [sflag:s10], $0x4000  }
0x1c: {  	[sflag:s10] =	ssyncset.done $0x0  }
0x1d: {  	s30 =	simm.s32 $0x100;
	[sflag:s10] =	ssyncadd.s32 $0xFFFFC000  }
0x1e: {  	[tilespmem:s12], [sflag:$0x1] =	stream.indirect.gather [hbm4b:s2+s11], $0x80, s30, s11, $0xb8;
	[tilespmem:$0x8C00] =	vst v63  }
0x1f: {  	_ =	swait.ge [sflag:s15], $0x4000  }
0x20: {  	[sflag:s15] =	ssyncset.done $0x0  }
0x21: {  	s31 =	sadd.s32 $0x0, s8;
	[sflag:s15] =	ssyncadd.s32 $0xFFFFC000  }
0x22: {  	[hbm4b:s31+s3] =	stream.linear.scatter [tilespmem:s13], [sflag:$0x3], $0x4000, $0x38;
	[tilespmem:$0x8C00] =	vst v63  }
0x23: {  	_ =	swait.ge [sflag:s10], $0x4000  }
0x24: {  	s18 =	simm.s32 $0x1000;
	[sflag:s10] =	ssyncset.done $0x0  }
0x25: {  	s19 =	simm.s32 $0x280;
	s17 =	simm.s32 $0x180;
	[sflag:s10] =	ssyncadd.s32 $0xFFFFC000  }
.LBB2_2:
0x26: {  	[tilespmem:s13], [sflag:$0x2] =	stream.indirect.gather [hbm4b:s2+s11], $0x80, s17, s11, $0xb8;
	[tilespmem:$0x8C00] =	vst v63  }
0x27: {  	s20 =	smov.u32 s18;
	s17 =	smov.u32 s19  }
0x28: {  	p0 =	sne.s32 s18, $0xA000;
	s18 =	sadd.s32 $0x1000, s18;
	_ =	swait.ge [sflag:s14], $0x4000  }
0x29: {  	[sflag:s14] =	ssyncset.done $0x0  }
0x2a: {  	s21 =	sadd.s32 s20, s9;
	[sflag:s14] =	ssyncadd.s32 $0xFFFFC000  }
0x2b: {  	[hbm4b:s21+s3] =	stream.linear.scatter [tilespmem:s12], [sflag:$0x3], $0x4000, $0x38;
	[tilespmem:$0x8C00] =	vst v63  }
0x2c: {  	_ =	swait.ge [sflag:s10], $0x4000  }
0x2d: {  	[sflag:s10] =	ssyncset.done $0x0  }
0x2e: {  	s21 =	sadd.s32 $0xFFFFFF80, s19;
	[sflag:s10] =	ssyncadd.s32 $0xFFFFC000  }
0x2f: {  	[tilespmem:s12], [sflag:$0x1] =	stream.indirect.gather [hbm4b:s2+s11], $0x80, s21, s11, $0xb8;
	[tilespmem:$0x8C00] =	vst v63  }
0x30: {  	_ =	swait.ge [sflag:s15], $0x4000  }
0x31: {  	[sflag:s15] =	ssyncset.done $0x0  }
.Ltmp0:
0x32: {  	s20 =	sadd.s32 s20, s8;
	[sflag:s15] =	ssyncadd.s32 $0xFFFFC000;
	(pc) =	sbr.rel @p0 .LBB2_2-.Ltmp0, $4  }
0x33: {  	[hbm4b:s20+s3] =	stream.linear.scatter [tilespmem:s13], [sflag:$0x3], $0x4000, $0x38;
	[tilespmem:$0x8C00] =	vst v63  }
0x34: {  	_ =	swait.ge [sflag:s10], $0x4000  }
0x35: {  	[sflag:s10] =	ssyncset.done $0x0  }
0x36: {  	s19 =	sadd.s32 $0x100, s19;
	[sflag:s10] =	ssyncadd.s32 $0xFFFFC000  }
0x37: {  	[tilespmem:s13], [sflag:$0x2] =	stream.indirect.gather [hbm4b:s2+s11], $0x80, s17, s11, $0xb8;
	[tilespmem:$0x8C00] =	vst v63  }
0x38: {  	_ =	swait.ge [sflag:s14], $0x4000  }
0x39: {  	[sflag:s14] =	ssyncset.done $0x0  }
0x3a: {  	[sflag:s14] =	ssyncadd.s32 $0xFFFFC000  }
0x3b: {  	[hbm4b:s6+s3] =	stream.linear.scatter [tilespmem:s12], [sflag:$0x3], $0x4000, $0x38;
	[tilespmem:$0x8C00] =	vst v63  }
0x3c: {  	_ =	swait.ge [sflag:s10], $0x4000  }
0x3d: {  	[sflag:s10] =	ssyncset.done $0x0  }
0x3e: {  	[sflag:s10] =	ssyncadd.s32 $0xFFFFC000  }
0x3f: {  	s16 =	sadd.s32 $0x1, s16;
	_ =	swait.ge [sflag:s15], $0x4000  }
0x40: {  	p0 =	sne.s32 s16, s5;
	[sflag:s15] =	ssyncset.done $0x0  }
.Ltmp1:
0x41: {  	[sflag:s15] =	ssyncadd.s32 $0xFFFFC000;
	(pc) =	sbr.rel @p0 .LBB2_1-.Ltmp1, $4  }
0x42: {  	[hbm4b:s7+s3] =	stream.linear.scatter [tilespmem:s13], [sflag:$0x3], $0x4000, $0x38;
	[tilespmem:$0x8C00] =	vst v63  }
0x43: {  	_ =	swait.ge [sflag:s10], $0x4000  }
0x44: {  	[sflag:s10] =	ssyncset.done $0x0  }
0x45: {  	[sflag:s10] =	ssyncadd.s32 $0xFFFFC000  }
0x46: {  	_ =	sfence.sel $0x180000  }
0x47: {  	[bflag:$0x0] =	sbarrier.arrive $0xFFFF  }
0x48: {  	p0 =	sne.s32 s0, $0x0;
	_ =	strace $0x90000047  }
0x49: {  	s0 =	sadd.s32 @!p0 $0x100000, s1;
	[bflag:$0x2] =	sbarrier.arrive $0xFFFF  }
0x4a: {  	[sflag:s0] =	ssyncadd.tile.s32 @!p0 $0x1;
	_ =	shalt  }
.Lfunc_end2:
_tile_overlayer_lowered:
.L_overlay_start_2:
0x4b: {  	(tag) =	ssettag $0x2  }
0x4c: {  	s0 =	rddreg [dreg:$0x0];
	s2 =	stileid.u32  }
0x4d: {  	s1 =	rddreg [dreg:$0x1];
	p0 =	sne.s32 s2, $0x0  }
0x4e: {  	s3 =	rddreg [dreg:$0x2];
	[bflag:$0x3] =	sbarrier.arrive $0xFFFF;
	s2 =	simm.s32 @!p0 $0x1C03  }
0x4f: {  	[timem:s3], [sflag:s2] =	dma.local @!p0 [hbm:s0], s1  }
0x50: {  	s0 =	simm.s32 @!p0 $0x3  }
0x51: {  	_ =	swait.ge @!p0 [sflag:s0], s1  }
0x52: {  	s1 =	ssub.s32 @!p0 $0x0, s1;
	[sflag:s0] =	ssyncset.done @!p0 $0x0  }
0x53: {  	[sflag:s0] =	ssyncadd.s32 @!p0 s1  }
0x54: {  	[bflag:$0x3] =	sbarrier.arrive $0xFFFF  }
0x55: {  	_ =	shalt  }

</sc_bundles>
